<compile_context>
chip_gen: v7x
topology: tpu7x:2x2x1
jax: 0.10.2.dev20260603
libtpu: 0.0.44.dev20260713+nightly
codegen_flags: <defaults>
</compile_context>

<pallas_src>
import functools

import jax
import jax.numpy as jnp
from jax import lax
from jax.experimental import pallas as pl
from jax.experimental.pallas import tpu as pltpu
from jax.experimental.pallas import tpu_sc as plsc

D_MODEL = 1024
SEQ = 4096

_info = plsc.get_sparse_core_info()
_NC = _info.num_cores
_ROWS_PER_C = SEQ // _NC
_CHUNK = 256
_NBUF = 4
_NCHUNK = _ROWS_PER_C // _CHUNK

_mesh = plsc.ScalarSubcoreMesh(axis_name="c")


@functools.partial(
    pl.kernel,
    mesh=_mesh,
    out_type=jax.ShapeDtypeStruct((SEQ, D_MODEL), jnp.float32),
    scratch_types=(
        [pltpu.VMEM_SHARED((_CHUNK, D_MODEL), jnp.float32) for _ in range(_NBUF)]
        + [pltpu.SemaphoreType.DMA for _ in range(2 * _NBUF)]
    ),
)
def _pe_slice_copy(pe_hbm, out_hbm, *scratch):
    bufs = scratch[:_NBUF]
    sins = scratch[_NBUF : 2 * _NBUF]
    souts = scratch[2 * _NBUF :]
    base = lax.axis_index("c") * _ROWS_PER_C

    in_h = [None] * _NBUF
    out_h = [None] * _NBUF
    for j in range(_NBUF):
        in_h[j] = pltpu.async_copy(
            pe_hbm.at[pl.ds(base + j * _CHUNK, _CHUNK)], bufs[j], sins[j]
        )
    for i in range(_NCHUNK):
        j = i % _NBUF
        in_h[j].wait()
        out_h[j] = pltpu.async_copy(
            bufs[j], out_hbm.at[pl.ds(base + i * _CHUNK, _CHUNK)], souts[j]
        )
        nxt = i + _NBUF
        if nxt < _NCHUNK:
            out_h[j].wait()
            in_h[j] = pltpu.async_copy(
                pe_hbm.at[pl.ds(base + nxt * _CHUNK, _CHUNK)], bufs[j], sins[j]
            )
    for j in range(_NBUF):
        out_h[j].wait()


def kernel(x, pe):
    del x
    return _pe_slice_copy(pe[0])[None]

# --- scband reference (transcript-rebuilt; emitter-appended) ---
"""Pipeline reference for scband-learnable-positional-embedding-1365799600736 (READ-ONLY COPY).

The authoritative reference and input builder live on the scoring server;
editing this copy changes nothing except your own understanding.
"""

import jax, jax.numpy as jnp
import numpy as np

D_MODEL = 1024
MAX_LEN = 8192
BATCH = 4
SEQ = 4096

def setup_inputs(seed: int = 0) -> dict:
    key = jax.random.key(seed)
    k1, k2 = jax.random.split(key)
    x = jax.random.normal(k1, (BATCH, SEQ, D_MODEL), dtype=jnp.float32)
    # learned positional embedding table, initialized as 0.1 * randn(max_len, d_model), unsqueezed to (1, max_len, d_model)
    pe = 0.1 * jax.random.normal(k2, (1, MAX_LEN, D_MODEL), dtype=jnp.float32)
    return {"x": x, "pe": pe}

def reference(x, pe):
    # forward: return self.weight[:, :x.size(seq_dim), :]
    seq_len = x.shape[1]
    return pe[:, :seq_len, :]

if __name__ == "__main__":
    import jax
    _d = setup_inputs()
    print(jax.jit(kernel)(*tuple(_d.values())))

</pallas_src>

<mosaic_0001>
#map = affine_map<(d0) -> (0, 0)>
module attributes {stable_mosaic.version = 14 : i64} {
  func.func @_pe_slice_copy(%arg0: i32, %arg1: memref<8192x1024xf32, #tpu.memory_space<hbm>>, %arg2: memref<4096x1024xf32, #tpu.memory_space<hbm>>, %arg3: memref<256x1024xf32, #tpu.memory_space<vmem_shared>>, %arg4: memref<256x1024xf32, #tpu.memory_space<vmem_shared>>, %arg5: memref<256x1024xf32, #tpu.memory_space<vmem_shared>>, %arg6: memref<256x1024xf32, #tpu.memory_space<vmem_shared>>, %arg7: memref<!tpu.dma_semaphore, #tpu.memory_space<semaphore_mem>>, %arg8: memref<!tpu.dma_semaphore, #tpu.memory_space<semaphore_mem>>, %arg9: memref<!tpu.dma_semaphore, #tpu.memory_space<semaphore_mem>>, %arg10: memref<!tpu.dma_semaphore, #tpu.memory_space<semaphore_mem>>, %arg11: memref<!tpu.dma_semaphore, #tpu.memory_space<semaphore_mem>>, %arg12: memref<!tpu.dma_semaphore, #tpu.memory_space<semaphore_mem>>, %arg13: memref<!tpu.dma_semaphore, #tpu.memory_space<semaphore_mem>>, %arg14: memref<!tpu.dma_semaphore, #tpu.memory_space<semaphore_mem>>) attributes {dimension_semantics = [#tpu.dimension_semantics<core_parallel>], iteration_bounds = array<i64: 2>, scalar_prefetch = 0 : i64, scratch_operands = 12 : i64, tpu.core_type = #tpu.core_type<sc_scalar_subcore>, window_params = [{transform_indices = #map}, {transform_indices = #map}]} {
    %mul3A = arith.constant 2048 : i32
    %mul3A_0 = arith.muli %arg0, %mul3A : i32
    %add3A = arith.constant 0 : i32
    %add3A_1 = arith.addi %mul3A_0, %add3A : i32
    %dma_start3A = arith.constant 0 : i32
    %dma_start3A_2 = tpu.memref_slice %arg1[%add3A_1, %dma_start3A] : memref<8192x1024xf32, #tpu.memory_space<hbm>> -> memref<256x1024xf32, #tpu.memory_space<hbm>>
    tpu.enqueue_dma source(%dma_start3A_2 : memref<256x1024xf32, #tpu.memory_space<hbm>>) target(%arg3 : memref<256x1024xf32, #tpu.memory_space<vmem_shared>>) target_semaphore(%arg7 : memref<!tpu.dma_semaphore, #tpu.memory_space<semaphore_mem>>)
    %add3A_3 = arith.constant 256 : i32
    %add3A_4 = arith.addi %mul3A_0, %add3A_3 : i32
    %dma_start3A_5 = arith.constant 0 : i32
    %dma_start3A_6 = tpu.memref_slice %arg1[%add3A_4, %dma_start3A_5] : memref<8192x1024xf32, #tpu.memory_space<hbm>> -> memref<256x1024xf32, #tpu.memory_space<hbm>>
    tpu.enqueue_dma source(%dma_start3A_6 : memref<256x1024xf32, #tpu.memory_space<hbm>>) target(%arg4 : memref<256x1024xf32, #tpu.memory_space<vmem_shared>>) target_semaphore(%arg8 : memref<!tpu.dma_semaphore, #tpu.memory_space<semaphore_mem>>)
    %add3A_7 = arith.constant 512 : i32
    %add3A_8 = arith.addi %mul3A_0, %add3A_7 : i32
    %dma_start3A_9 = arith.constant 0 : i32
    %dma_start3A_10 = tpu.memref_slice %arg1[%add3A_8, %dma_start3A_9] : memref<8192x1024xf32, #tpu.memory_space<hbm>> -> memref<256x1024xf32, #tpu.memory_space<hbm>>
    tpu.enqueue_dma source(%dma_start3A_10 : memref<256x1024xf32, #tpu.memory_space<hbm>>) target(%arg5 : memref<256x1024xf32, #tpu.memory_space<vmem_shared>>) target_semaphore(%arg9 : memref<!tpu.dma_semaphore, #tpu.memory_space<semaphore_mem>>)
    %add3A_11 = arith.constant 768 : i32
    %add3A_12 = arith.addi %mul3A_0, %add3A_11 : i32
    %dma_start3A_13 = arith.constant 0 : i32
    %dma_start3A_14 = tpu.memref_slice %arg1[%add3A_12, %dma_start3A_13] : memref<8192x1024xf32, #tpu.memory_space<hbm>> -> memref<256x1024xf32, #tpu.memory_space<hbm>>
    tpu.enqueue_dma source(%dma_start3A_14 : memref<256x1024xf32, #tpu.memory_space<hbm>>) target(%arg6 : memref<256x1024xf32, #tpu.memory_space<vmem_shared>>) target_semaphore(%arg10 : memref<!tpu.dma_semaphore, #tpu.memory_space<semaphore_mem>>)
    %dma_wait3A = arith.constant 0 : i32
    %dma_wait3A_15 = tpu.memref_slice %arg1[%add3A_1, %dma_wait3A] : memref<8192x1024xf32, #tpu.memory_space<hbm>> -> memref<256x1024xf32, #tpu.memory_space<hbm>>
    tpu.wait_dma2 semaphore(%arg7 : memref<!tpu.dma_semaphore, #tpu.memory_space<semaphore_mem>>) src(%dma_wait3A_15 : memref<256x1024xf32, #tpu.memory_space<hbm>>) dst(%arg3 : memref<256x1024xf32, #tpu.memory_space<vmem_shared>>)
    %add3A_16 = arith.constant 0 : i32
    %add3A_17 = arith.addi %mul3A_0, %add3A_16 : i32
    %dma_start3A_18 = arith.constant 0 : i32
    %dma_start3A_19 = tpu.memref_slice %arg2[%add3A_17, %dma_start3A_18] : memref<4096x1024xf32, #tpu.memory_space<hbm>> -> memref<256x1024xf32, #tpu.memory_space<hbm>>
    tpu.enqueue_dma source(%arg3 : memref<256x1024xf32, #tpu.memory_space<vmem_shared>>) target(%dma_start3A_19 : memref<256x1024xf32, #tpu.memory_space<hbm>>) target_semaphore(%arg11 : memref<!tpu.dma_semaphore, #tpu.memory_space<semaphore_mem>>)
    %dma_wait3A_20 = arith.constant 0 : i32
    %dma_wait3A_21 = tpu.memref_slice %arg2[%add3A_17, %dma_wait3A_20] : memref<4096x1024xf32, #tpu.memory_space<hbm>> -> memref<256x1024xf32, #tpu.memory_space<hbm>>
    tpu.wait_dma2 semaphore(%arg11 : memref<!tpu.dma_semaphore, #tpu.memory_space<semaphore_mem>>) src(%arg3 : memref<256x1024xf32, #tpu.memory_space<vmem_shared>>) dst(%dma_wait3A_21 : memref<256x1024xf32, #tpu.memory_space<hbm>>)
    %add3A_22 = arith.constant 1024 : i32
    %add3A_23 = arith.addi %mul3A_0, %add3A_22 : i32
    %dma_start3A_24 = arith.constant 0 : i32
    %dma_start3A_25 = tpu.memref_slice %arg1[%add3A_23, %dma_start3A_24] : memref<8192x1024xf32, #tpu.memory_space<hbm>> -> memref<256x1024xf32, #tpu.memory_space<hbm>>
    tpu.enqueue_dma source(%dma_start3A_25 : memref<256x1024xf32, #tpu.memory_space<hbm>>) target(%arg3 : memref<256x1024xf32, #tpu.memory_space<vmem_shared>>) target_semaphore(%arg7 : memref<!tpu.dma_semaphore, #tpu.memory_space<semaphore_mem>>)
    %dma_wait3A_26 = arith.constant 0 : i32
    %dma_wait3A_27 = tpu.memref_slice %arg1[%add3A_4, %dma_wait3A_26] : memref<8192x1024xf32, #tpu.memory_space<hbm>> -> memref<256x1024xf32, #tpu.memory_space<hbm>>
    tpu.wait_dma2 semaphore(%arg8 : memref<!tpu.dma_semaphore, #tpu.memory_space<semaphore_mem>>) src(%dma_wait3A_27 : memref<256x1024xf32, #tpu.memory_space<hbm>>) dst(%arg4 : memref<256x1024xf32, #tpu.memory_space<vmem_shared>>)
    %add3A_28 = arith.constant 256 : i32
    %add3A_29 = arith.addi %mul3A_0, %add3A_28 : i32
    %dma_start3A_30 = arith.constant 0 : i32
    %dma_start3A_31 = tpu.memref_slice %arg2[%add3A_29, %dma_start3A_30] : memref<4096x1024xf32, #tpu.memory_space<hbm>> -> memref<256x1024xf32, #tpu.memory_space<hbm>>
    tpu.enqueue_dma source(%arg4 : memref<256x1024xf32, #tpu.memory_space<vmem_shared>>) target(%dma_start3A_31 : memref<256x1024xf32, #tpu.memory_space<hbm>>) target_semaphore(%arg12 : memref<!tpu.dma_semaphore, #tpu.memory_space<semaphore_mem>>)
    %dma_wait3A_32 = arith.constant 0 : i32
    %dma_wait3A_33 = tpu.memref_slice %arg2[%add3A_29, %dma_wait3A_32] : memref<4096x1024xf32, #tpu.memory_space<hbm>> -> memref<256x1024xf32, #tpu.memory_space<hbm>>
    tpu.wait_dma2 semaphore(%arg12 : memref<!tpu.dma_semaphore, #tpu.memory_space<semaphore_mem>>) src(%arg4 : memref<256x1024xf32, #tpu.memory_space<vmem_shared>>) dst(%dma_wait3A_33 : memref<256x1024xf32, #tpu.memory_space<hbm>>)
    %add3A_34 = arith.constant 1280 : i32
    %add3A_35 = arith.addi %mul3A_0, %add3A_34 : i32
    %dma_start3A_36 = arith.constant 0 : i32
    %dma_start3A_37 = tpu.memref_slice %arg1[%add3A_35, %dma_start3A_36] : memref<8192x1024xf32, #tpu.memory_space<hbm>> -> memref<256x1024xf32, #tpu.memory_space<hbm>>
    tpu.enqueue_dma source(%dma_start3A_37 : memref<256x1024xf32, #tpu.memory_space<hbm>>) target(%arg4 : memref<256x1024xf32, #tpu.memory_space<vmem_shared>>) target_semaphore(%arg8 : memref<!tpu.dma_semaphore, #tpu.memory_space<semaphore_mem>>)
    %dma_wait3A_38 = arith.constant 0 : i32
    %dma_wait3A_39 = tpu.memref_slice %arg1[%add3A_8, %dma_wait3A_38] : memref<8192x1024xf32, #tpu.memory_space<hbm>> -> memref<256x1024xf32, #tpu.memory_space<hbm>>
    tpu.wait_dma2 semaphore(%arg9 : memref<!tpu.dma_semaphore, #tpu.memory_space<semaphore_mem>>) src(%dma_wait3A_39 : memref<256x1024xf32, #tpu.memory_space<hbm>>) dst(%arg5 : memref<256x1024xf32, #tpu.memory_space<vmem_shared>>)
    %add3A_40 = arith.constant 512 : i32
    %add3A_41 = arith.addi %mul3A_0, %add3A_40 : i32
    %dma_start3A_42 = arith.constant 0 : i32
    %dma_start3A_43 = tpu.memref_slice %arg2[%add3A_41, %dma_start3A_42] : memref<4096x1024xf32, #tpu.memory_space<hbm>> -> memref<256x1024xf32, #tpu.memory_space<hbm>>
    tpu.enqueue_dma source(%arg5 : memref<256x1024xf32, #tpu.memory_space<vmem_shared>>) target(%dma_start3A_43 : memref<256x1024xf32, #tpu.memory_space<hbm>>) target_semaphore(%arg13 : memref<!tpu.dma_semaphore, #tpu.memory_space<semaphore_mem>>)
    %dma_wait3A_44 = arith.constant 0 : i32
    %dma_wait3A_45 = tpu.memref_slice %arg2[%add3A_41, %dma_wait3A_44] : memref<4096x1024xf32, #tpu.memory_space<hbm>> -> memref<256x1024xf32, #tpu.memory_space<hbm>>
    tpu.wait_dma2 semaphore(%arg13 : memref<!tpu.dma_semaphore, #tpu.memory_space<semaphore_mem>>) src(%arg5 : memref<256x1024xf32, #tpu.memory_space<vmem_shared>>) dst(%dma_wait3A_45 : memref<256x1024xf32, #tpu.memory_space<hbm>>)
    %add3A_46 = arith.constant 1536 : i32
    %add3A_47 = arith.addi %mul3A_0, %add3A_46 : i32
    %dma_start3A_48 = arith.constant 0 : i32
    %dma_start3A_49 = tpu.memref_slice %arg1[%add3A_47, %dma_start3A_48] : memref<8192x1024xf32, #tpu.memory_space<hbm>> -> memref<256x1024xf32, #tpu.memory_space<hbm>>
    tpu.enqueue_dma source(%dma_start3A_49 : memref<256x1024xf32, #tpu.memory_space<hbm>>) target(%arg5 : memref<256x1024xf32, #tpu.memory_space<vmem_shared>>) target_semaphore(%arg9 : memref<!tpu.dma_semaphore, #tpu.memory_space<semaphore_mem>>)
    %dma_wait3A_50 = arith.constant 0 : i32
    %dma_wait3A_51 = tpu.memref_slice %arg1[%add3A_12, %dma_wait3A_50] : memref<8192x1024xf32, #tpu.memory_space<hbm>> -> memref<256x1024xf32, #tpu.memory_space<hbm>>
    tpu.wait_dma2 semaphore(%arg10 : memref<!tpu.dma_semaphore, #tpu.memory_space<semaphore_mem>>) src(%dma_wait3A_51 : memref<256x1024xf32, #tpu.memory_space<hbm>>) dst(%arg6 : memref<256x1024xf32, #tpu.memory_space<vmem_shared>>)
    %add3A_52 = arith.constant 768 : i32
    %add3A_53 = arith.addi %mul3A_0, %add3A_52 : i32
    %dma_start3A_54 = arith.constant 0 : i32
    %dma_start3A_55 = tpu.memref_slice %arg2[%add3A_53, %dma_start3A_54] : memref<4096x1024xf32, #tpu.memory_space<hbm>> -> memref<256x1024xf32, #tpu.memory_space<hbm>>
    tpu.enqueue_dma source(%arg6 : memref<256x1024xf32, #tpu.memory_space<vmem_shared>>) target(%dma_start3A_55 : memref<256x1024xf32, #tpu.memory_space<hbm>>) target_semaphore(%arg14 : memref<!tpu.dma_semaphore, #tpu.memory_space<semaphore_mem>>)
    %dma_wait3A_56 = arith.constant 0 : i32
    %dma_wait3A_57 = tpu.memref_slice %arg2[%add3A_53, %dma_wait3A_56] : memref<4096x1024xf32, #tpu.memory_space<hbm>> -> memref<256x1024xf32, #tpu.memory_space<hbm>>
    tpu.wait_dma2 semaphore(%arg14 : memref<!tpu.dma_semaphore, #tpu.memory_space<semaphore_mem>>) src(%arg6 : memref<256x1024xf32, #tpu.memory_space<vmem_shared>>) dst(%dma_wait3A_57 : memref<256x1024xf32, #tpu.memory_space<hbm>>)
    %add3A_58 = arith.constant 1792 : i32
    %add3A_59 = arith.addi %mul3A_0, %add3A_58 : i32
    %dma_start3A_60 = arith.constant 0 : i32
    %dma_start3A_61 = tpu.memref_slice %arg1[%add3A_59, %dma_start3A_60] : memref<8192x1024xf32, #tpu.memory_space<hbm>> -> memref<256x1024xf32, #tpu.memory_space<hbm>>
    tpu.enqueue_dma source(%dma_start3A_61 : memref<256x1024xf32, #tpu.memory_space<hbm>>) target(%arg6 : memref<256x1024xf32, #tpu.memory_space<vmem_shared>>) target_semaphore(%arg10 : memref<!tpu.dma_semaphore, #tpu.memory_space<semaphore_mem>>)
    %dma_wait3A_62 = arith.constant 0 : i32
    %dma_wait3A_63 = tpu.memref_slice %arg1[%add3A_23, %dma_wait3A_62] : memref<8192x1024xf32, #tpu.memory_space<hbm>> -> memref<256x1024xf32, #tpu.memory_space<hbm>>
    tpu.wait_dma2 semaphore(%arg7 : memref<!tpu.dma_semaphore, #tpu.memory_space<semaphore_mem>>) src(%dma_wait3A_63 : memref<256x1024xf32, #tpu.memory_space<hbm>>) dst(%arg3 : memref<256x1024xf32, #tpu.memory_space<vmem_shared>>)
    %add3A_64 = arith.constant 1024 : i32
    %add3A_65 = arith.addi %mul3A_0, %add3A_64 : i32
    %dma_start3A_66 = arith.constant 0 : i32
    %dma_start3A_67 = tpu.memref_slice %arg2[%add3A_65, %dma_start3A_66] : memref<4096x1024xf32, #tpu.memory_space<hbm>> -> memref<256x1024xf32, #tpu.memory_space<hbm>>
    tpu.enqueue_dma source(%arg3 : memref<256x1024xf32, #tpu.memory_space<vmem_shared>>) target(%dma_start3A_67 : memref<256x1024xf32, #tpu.memory_space<hbm>>) target_semaphore(%arg11 : memref<!tpu.dma_semaphore, #tpu.memory_space<semaphore_mem>>)
    %dma_wait3A_68 = arith.constant 0 : i32
    %dma_wait3A_69 = tpu.memref_slice %arg1[%add3A_35, %dma_wait3A_68] : memref<8192x1024xf32, #tpu.memory_space<hbm>> -> memref<256x1024xf32, #tpu.memory_space<hbm>>
    tpu.wait_dma2 semaphore(%arg8 : memref<!tpu.dma_semaphore, #tpu.memory_space<semaphore_mem>>) src(%dma_wait3A_69 : memref<256x1024xf32, #tpu.memory_space<hbm>>) dst(%arg4 : memref<256x1024xf32, #tpu.memory_space<vmem_shared>>)
    %add3A_70 = arith.constant 1280 : i32
    %add3A_71 = arith.addi %mul3A_0, %add3A_70 : i32
    %dma_start3A_72 = arith.constant 0 : i32
    %dma_start3A_73 = tpu.memref_slice %arg2[%add3A_71, %dma_start3A_72] : memref<4096x1024xf32, #tpu.memory_space<hbm>> -> memref<256x1024xf32, #tpu.memory_space<hbm>>
    tpu.enqueue_dma source(%arg4 : memref<256x1024xf32, #tpu.memory_space<vmem_shared>>) target(%dma_start3A_73 : memref<256x1024xf32, #tpu.memory_space<hbm>>) target_semaphore(%arg12 : memref<!tpu.dma_semaphore, #tpu.memory_space<semaphore_mem>>)
    %dma_wait3A_74 = arith.constant 0 : i32
    %dma_wait3A_75 = tpu.memref_slice %arg1[%add3A_47, %dma_wait3A_74] : memref<8192x1024xf32, #tpu.memory_space<hbm>> -> memref<256x1024xf32, #tpu.memory_space<hbm>>
    tpu.wait_dma2 semaphore(%arg9 : memref<!tpu.dma_semaphore, #tpu.memory_space<semaphore_mem>>) src(%dma_wait3A_75 : memref<256x1024xf32, #tpu.memory_space<hbm>>) dst(%arg5 : memref<256x1024xf32, #tpu.memory_space<vmem_shared>>)
    %add3A_76 = arith.constant 1536 : i32
    %add3A_77 = arith.addi %mul3A_0, %add3A_76 : i32
    %dma_start3A_78 = arith.constant 0 : i32
    %dma_start3A_79 = tpu.memref_slice %arg2[%add3A_77, %dma_start3A_78] : memref<4096x1024xf32, #tpu.memory_space<hbm>> -> memref<256x1024xf32, #tpu.memory_space<hbm>>
    tpu.enqueue_dma source(%arg5 : memref<256x1024xf32, #tpu.memory_space<vmem_shared>>) target(%dma_start3A_79 : memref<256x1024xf32, #tpu.memory_space<hbm>>) target_semaphore(%arg13 : memref<!tpu.dma_semaphore, #tpu.memory_space<semaphore_mem>>)
    %dma_wait3A_80 = arith.constant 0 : i32
    %dma_wait3A_81 = tpu.memref_slice %arg1[%add3A_59, %dma_wait3A_80] : memref<8192x1024xf32, #tpu.memory_space<hbm>> -> memref<256x1024xf32, #tpu.memory_space<hbm>>
    tpu.wait_dma2 semaphore(%arg10 : memref<!tpu.dma_semaphore, #tpu.memory_space<semaphore_mem>>) src(%dma_wait3A_81 : memref<256x1024xf32, #tpu.memory_space<hbm>>) dst(%arg6 : memref<256x1024xf32, #tpu.memory_space<vmem_shared>>)
    %add3A_82 = arith.constant 1792 : i32
    %add3A_83 = arith.addi %mul3A_0, %add3A_82 : i32
    %dma_start3A_84 = arith.constant 0 : i32
    %dma_start3A_85 = tpu.memref_slice %arg2[%add3A_83, %dma_start3A_84] : memref<4096x1024xf32, #tpu.memory_space<hbm>> -> memref<256x1024xf32, #tpu.memory_space<hbm>>
    tpu.enqueue_dma source(%arg6 : memref<256x1024xf32, #tpu.memory_space<vmem_shared>>) target(%dma_start3A_85 : memref<256x1024xf32, #tpu.memory_space<hbm>>) target_semaphore(%arg14 : memref<!tpu.dma_semaphore, #tpu.memory_space<semaphore_mem>>)
    %dma_wait3A_86 = arith.constant 0 : i32
    %dma_wait3A_87 = tpu.memref_slice %arg2[%add3A_65, %dma_wait3A_86] : memref<4096x1024xf32, #tpu.memory_space<hbm>> -> memref<256x1024xf32, #tpu.memory_space<hbm>>
    tpu.wait_dma2 semaphore(%arg11 : memref<!tpu.dma_semaphore, #tpu.memory_space<semaphore_mem>>) src(%arg3 : memref<256x1024xf32, #tpu.memory_space<vmem_shared>>) dst(%dma_wait3A_87 : memref<256x1024xf32, #tpu.memory_space<hbm>>)
    %dma_wait3A_88 = arith.constant 0 : i32
    %dma_wait3A_89 = tpu.memref_slice %arg2[%add3A_71, %dma_wait3A_88] : memref<4096x1024xf32, #tpu.memory_space<hbm>> -> memref<256x1024xf32, #tpu.memory_space<hbm>>
    tpu.wait_dma2 semaphore(%arg12 : memref<!tpu.dma_semaphore, #tpu.memory_space<semaphore_mem>>) src(%arg4 : memref<256x1024xf32, #tpu.memory_space<vmem_shared>>) dst(%dma_wait3A_89 : memref<256x1024xf32, #tpu.memory_space<hbm>>)
    %dma_wait3A_90 = arith.constant 0 : i32
    %dma_wait3A_91 = tpu.memref_slice %arg2[%add3A_77, %dma_wait3A_90] : memref<4096x1024xf32, #tpu.memory_space<hbm>> -> memref<256x1024xf32, #tpu.memory_space<hbm>>
    tpu.wait_dma2 semaphore(%arg13 : memref<!tpu.dma_semaphore, #tpu.memory_space<semaphore_mem>>) src(%arg5 : memref<256x1024xf32, #tpu.memory_space<vmem_shared>>) dst(%dma_wait3A_91 : memref<256x1024xf32, #tpu.memory_space<hbm>>)
    %dma_wait3A_92 = arith.constant 0 : i32
    %dma_wait3A_93 = tpu.memref_slice %arg2[%add3A_83, %dma_wait3A_92] : memref<4096x1024xf32, #tpu.memory_space<hbm>> -> memref<256x1024xf32, #tpu.memory_space<hbm>>
    tpu.wait_dma2 semaphore(%arg14 : memref<!tpu.dma_semaphore, #tpu.memory_space<semaphore_mem>>) src(%arg6 : memref<256x1024xf32, #tpu.memory_space<vmem_shared>>) dst(%dma_wait3A_93 : memref<256x1024xf32, #tpu.memory_space<hbm>>)
    return
  }
}

</mosaic_0001>

<sc_bundles>
// kernel: kernel.3.cloned.1.call-start
scs
__scs_entry_jumppad:
0x0: {  	(pc) =	sbr.rel $0x88, $3  }
0x1: {  	(tag) =	ssettag $0x0;
	lr =	simm.s32 $0x1  }
0x2: {  	[smem:$0x3FA0] =	sst lr;
	_ =	strace $0xD0000000  }
0x3: {  	_ = 	snop  }
0x4: {  	_ = 	snop  }
0x5: {  	_ = 	snop  }
0x6: {  	_ = 	snop  }
0x7: {  	_ = 	snop  }
__scs_overlays_trampoline_lowered:
0x8: {  	[smem:$0x3FAF] =	sst s0  }
0x9: {  	[smem:$0x3FB0] =	sst s1  }
0xa: {  	[smem:$0x3FB1] =	sst s2  }
0xb: {  	[smem:$0x3FB2] =	sst s3  }
0xc: {  	[smem:$0x3FB3] =	sst s4  }
0xd: {  	[smem:$0x3FB4] =	sst s5  }
0xe: {  	[smem:$0x3FB5] =	sst s6  }
0xf: {  	[smem:$0x3FB6] =	sst s7  }
0x10: {  	[smem:$0x3FB7] =	sst s8  }
0x11: {  	[smem:$0x3FB8] =	sst s9;
	s0 =	simm.s32 @!p0 $0x0  }
0x12: {  	s1 =	sld [smem:$0x3F9E];
	s0 =	simm.s32 @p0 $0x1  }
0x13: {  	[smem:$0x3FB9] =	sst s0;
	s0 =	simm.s32 @!p1 $0x0  }
0x14: {  	s2 =	sld [smem:$0x3F9D];
	s0 =	simm.s32 @p1 $0x1  }
0x15: {  	[smem:$0x3FBA] =	sst s0;
	s0 =	simm.s32 @!p2 $0x0  }
0x16: {  	s3 =	sld [smem:$0x3FDB];
	s0 =	simm.s32 @p2 $0x1  }
0x17: {  	s4 =	simm.s32 $0x1BF5;
	[smem:$0x3FBC] =	sst s0  }
0x18: {  	s0 =	sld [smem:$0x3F9F];
	_ =	swait.ge [sflag:s4], $0x0  }
0x19: {  	s7 =	sld [smem:$0x3FA0]  }
0x1a: {  	s8 =	sadd.s32 $0xFFFFE003, lr  }
0x1b: {  	s9 =	sadd.s32 $0xFFFFFEF7, lr;
	s5 =	simm.s32 $0xFFFFFFFF;
	p2 =	slt.u32 s8, $0xFFFFF086  }
0x1c: {  	p1 =	slt.u32 s9, $0xF7A;
	s5 =	simm.s32 @!p2 $0x0  }
0x1d: {  	s5 =	simm.s32 @p1 $0x1;
	p0 =	seq.s32 s7, s2  }
0x1e: {  	s7 =	smul.u32 @!p0 $0xF7A, s2;
	p2 =	seq.s32 @!p0 s5, $0x0  }
0x1f: {  	s9 =	smul.u32 $0xF7A, s1;
	s8 =	simm.s32 @!p0 $0x1BF5;
	p2 =	por !p2, p0  }
0x20: {  	[sflag:s8] =	ssyncset.s32 @!p0 $0xFFFFF086;
	s6 =	sadd.s32 @!p0 s3, s7;
	s7 =	simm.s32 @!p0 $0x108  }
0x21: {  	s3 =	sadd.s32 s3, s9;
	s6 =	sadd.s32 @!p0 $0x88, s6;
	s7 =	simm.s32 @p2 $0x1082  }
0x22: {  	[simem:s7], [sflag:s8] =	dma.local @!p0 [hbm:s6], $0xF7A  }
0x23: {  	s9 =	sor.u32 $0xD0000000, s2;
	s6 =	simm.s32 $0x108;
	_ =	swait.ge @!p0 [sflag:s8], $0x0  }
0x24: {  	s3 =	sadd.s32 $0x88, s3;
	s6 =	simm.s32 @!p1 $0x1082;
	[sflag:s4] =	ssyncset.s32 $0xFFFFF086  }
0x25: {  	[simem:s6], [sflag:s4] =	dma.local [hbm:s3], $0xF7A  }
0x26: {  	[smem:$0x3FA0] =	sst s1;
	(tag) =	ssettag s2;
	_ =	strace s9  }
0x27: {  	s1 =	sld [smem:$0x3FB0]  }
0x28: {  	s2 =	sld [smem:$0x3FB1]  }
0x29: {  	s4 =	sld [smem:$0x3FB3]  }
0x2a: {  	p0 =	seq.s32 s5, $0x0;
	s5 =	sld [smem:$0x3FB4]  }
0x2b: {  	s6 =	sld [smem:$0x3FB5]  }
0x2c: {  	s7 =	sld [smem:$0x3FB6]  }
0x2d: {  	s3 =	simm.s32 $0x108;
	s8 =	sld [smem:$0x3FB7]  }
0x2e: {  	s3 =	simm.s32 @!p0 $0x1082;
	s9 =	sld [smem:$0x3FB8]  }
0x2f: {  	lr =	sadd.s32 s0, s3;
	s0 =	sld [smem:$0x3FAF]  }
0x30: {  	s3 =	sld [smem:$0x3FB2]  }
0x31: {  	[smem:$0x3FBB] =	sst s10  }
0x32: {  	s10 =	sld [smem:$0x3FB9];
	_ =	sdelay $0x3  }
0x33: {  	p0 =	seq.s32 s10, $0x1;
	s10 =	sld [smem:$0x3FBB];
	_ =	sdelay $0x3  }
0x34: {  	[smem:$0x3FBB] =	sst s10  }
0x35: {  	s10 =	sld [smem:$0x3FBA];
	_ =	sdelay $0x3  }
0x36: {  	p1 =	seq.s32 s10, $0x1;
	s10 =	sld [smem:$0x3FBB];
	_ =	sdelay $0x3  }
0x37: {  	[smem:$0x3FBB] =	sst s10  }
0x38: {  	s10 =	sld [smem:$0x3FBC]  }
0x39: {  	_ = 	snop;
	(pc) =	sbr.ind lr, $3  }
0x3a: {  	_ = 	snop  }
0x3b: {  	_ = 	snop  }
0x3c: {  	p2 =	seq.s32 s10, $0x1;
	s10 =	sld [smem:$0x3FBB]  }
0x3d: {  	_ =	shalt  }
0x3e: {  	_ =	shalt  }
0x3f: {  	_ =	shalt  }
0x40: {  	_ =	shalt  }
0x41: {  	_ =	shalt  }
0x42: {  	_ =	shalt  }
0x43: {  	_ =	shalt  }
0x44: {  	_ =	shalt  }
0x45: {  	_ =	shalt  }
0x46: {  	_ =	shalt  }
0x47: {  	_ =	shalt  }
0x48: {  	_ =	shalt  }
0x49: {  	_ =	shalt  }
0x4a: {  	_ =	shalt  }
0x4b: {  	_ =	shalt  }
0x4c: {  	_ =	shalt  }
0x4d: {  	_ =	shalt  }
0x4e: {  	_ =	shalt  }
0x4f: {  	_ =	shalt  }
0x50: {  	_ =	shalt  }
0x51: {  	_ =	shalt  }
0x52: {  	_ =	shalt  }
0x53: {  	_ =	shalt  }
0x54: {  	_ =	shalt  }
0x55: {  	_ =	shalt  }
0x56: {  	_ =	shalt  }
0x57: {  	_ =	shalt  }
0x58: {  	_ =	shalt  }
0x59: {  	_ =	shalt  }
0x5a: {  	_ =	shalt  }
0x5b: {  	_ =	shalt  }
0x5c: {  	_ =	shalt  }
0x5d: {  	_ =	shalt  }
0x5e: {  	_ =	shalt  }
0x5f: {  	_ =	shalt  }
0x60: {  	_ =	shalt  }
0x61: {  	_ =	shalt  }
0x62: {  	_ =	shalt  }
0x63: {  	_ =	shalt  }
0x64: {  	_ =	shalt  }
0x65: {  	_ =	shalt  }
0x66: {  	_ =	shalt  }
0x67: {  	_ =	shalt  }
0x68: {  	_ =	shalt  }
0x69: {  	_ =	shalt  }
0x6a: {  	_ =	shalt  }
0x6b: {  	_ =	shalt  }
0x6c: {  	_ =	shalt  }
0x6d: {  	_ =	shalt  }
0x6e: {  	_ =	shalt  }
0x6f: {  	_ =	shalt  }
0x70: {  	_ =	shalt  }
0x71: {  	_ =	shalt  }
0x72: {  	_ =	shalt  }
0x73: {  	_ =	shalt  }
0x74: {  	_ =	shalt  }
0x75: {  	_ =	shalt  }
0x76: {  	_ =	shalt  }
0x77: {  	_ =	shalt  }
0x78: {  	_ =	shalt  }
0x79: {  	_ =	shalt  }
0x7a: {  	_ =	shalt  }
0x7b: {  	_ =	shalt  }
0x7c: {  	_ =	shalt  }
0x7d: {  	_ =	shalt  }
0x7e: {  	_ =	shalt  }
0x7f: {  	_ =	shalt  }
0x80: {  	_ =	shalt  }
0x81: {  	_ =	shalt  }
0x82: {  	_ =	shalt  }
0x83: {  	_ =	shalt  }
0x84: {  	_ =	shalt  }
0x85: {  	_ =	shalt  }
0x86: {  	_ =	shalt  }
0x87: {  	_ =	shalt  }
.Lfunc_end0:
.L_simem_size_0:
called_computation_lowered:
.L_overlay_start_0:
0x88: {  	s2 =	sld [smem:$0x3FD9]  }
0x89: {  	s3 =	sld [smem:$0x3FFE];
	_ =	sdelay $0x1  }
0x8a: {  	s1 =	srdreg.scid  }
0x8b: {  	s0 =	sand.u32 $0x1, s1  }
0x8c: {  	s24 =	sshll.u32 s0, $0xA;
	s2 =	sadd.s32 s3, s2  }
0x8d: {  	s2 =	sadd.s32 s2, s24  }
0x8e: {  	s3 =	simm.s32 $0x0;
	[smem:$0x3FC7] =	sst s2  }
0x8f: {  	[smem:$0xF] =	sst s3  }
0x90: {  	s4 =	sld [smem:$0x3FC9]  }
0x91: {  	s2 =	sld [smem:$0x3FD0];
	(tm) =	ssettm $0x1  }
0x92: {  	s5 =	sld [smem:$0x3FFB];
	_ =	sdelay $0x3  }
0x93: {  	_ =	strace s5  }
0x94: {  	s5 =	sld [smem:$0x3FFC];
	_ =	sdelay $0x3  }
0x95: {  	_ =	strace s5  }
0x96: {  	s5 =	sld [smem:$0x3FFD];
	_ =	sdelay $0x3  }
0x97: {  	_ =	strace s5  }
0x98: {  	s25 =	simm.s32 $0x1B8B;
	_ =	strace $0x8FFFFFFF  }
0x99: {  	s26 =	simm.s32 $0x1B8E;
	s11 =	simm.s32 $0x9;
	_ =	swait.ge [sflag:s25], $0x1  }
0x9a: {  	s8 =	simm.s32 $0xA;
	s29 =	simm.s32 $0x8000;
	[sflag:s25] =	ssyncset.done $0x0  }
0x9b: {  	s9 =	simm.s32 $0xB;
	s13 =	sshll.u32 s0, $0x12;
	[sflag:s25] =	ssyncadd.s32 $0xFFFFFFFF  }
0x9c: {  	s14 =	sor.u32 $0x8000, s13;
	s15 =	sor.u32 $0x10000, s13;
	[smem:$0x3FD2] =	sst s26  }
0x9d: {  	s28 =	sadd.s32 s13, s4;
	s6 =	sadd.s32 s14, s4;
	_ =	strace $0x80000046  }
0x9e: {  	[spmem:s3], [sflag:s11] =	dma.local [hbm:s28], $0x8000  }
0x9f: {  	[spmem:s29], [sflag:s8] =	dma.local [hbm:s6], $0x8000  }
0xa0: {  	s16 =	sor.u32 $0x18000, s13;
	s7 =	sadd.s32 s15, s4;
	s6 =	simm.s32 $0x10000  }
0xa1: {  	[spmem:s6], [sflag:s9] =	dma.local [hbm:s7], $0x8000  }
0xa2: {  	s10 =	simm.s32 $0xC;
	s12 =	sadd.s32 s16, s4;
	s7 =	simm.s32 $0x18000  }
0xa3: {  	[spmem:s7], [sflag:s10] =	dma.local [hbm:s12], $0x8000  }
0xa4: {  	_ =	swait.ge [sflag:s11], $0x8000  }
0xa5: {  	[sflag:s11] =	ssyncset.done $0x0  }
0xa6: {  	[sflag:s11] =	ssyncadd.s32 $0xFFFF8000  }
0xa7: {  	s30 =	simm.s32 $0xD;
	s17 =	sadd.s32 s13, s2  }
0xa8: {  	[hbm:s17], [sflag:s30] =	dma.local [spmem:s3], $0x8000  }
0xa9: {  	_ =	swait.ge [sflag:s30], $0x8000  }
0xaa: {  	[sflag:s30] =	ssyncset.done $0x0  }
0xab: {  	s31 =	sor.u32 $0x20000, s13;
	[sflag:s30] =	ssyncadd.s32 $0xFFFF8000  }
0xac: {  	s18 =	sadd.s32 s31, s4  }
0xad: {  	[spmem:s3], [sflag:s11] =	dma.local [hbm:s18], $0x8000  }
0xae: {  	_ =	swait.ge [sflag:s8], $0x8000  }
0xaf: {  	[sflag:s8] =	ssyncset.done $0x0  }
0xb0: {  	[sflag:s8] =	ssyncadd.s32 $0xFFFF8000  }
0xb1: {  	s21 =	simm.s32 $0xE;
	s14 =	sadd.s32 s14, s2  }
0xb2: {  	[hbm:s14], [sflag:s21] =	dma.local [spmem:s29], $0x8000  }
0xb3: {  	_ =	swait.ge [sflag:s21], $0x8000  }
0xb4: {  	[sflag:s21] =	ssyncset.done $0x0  }
0xb5: {  	s22 =	sor.u32 $0x28000, s13;
	[sflag:s21] =	ssyncadd.s32 $0xFFFF8000  }
0xb6: {  	s19 =	sadd.s32 s22, s4  }
0xb7: {  	[spmem:s29], [sflag:s8] =	dma.local [hbm:s19], $0x8000  }
0xb8: {  	_ =	swait.ge [sflag:s9], $0x8000  }
0xb9: {  	[sflag:s9] =	ssyncset.done $0x0  }
0xba: {  	[sflag:s9] =	ssyncadd.s32 $0xFFFF8000  }
0xbb: {  	s23 =	simm.s32 $0xF;
	s15 =	sadd.s32 s15, s2  }
0xbc: {  	[hbm:s15], [sflag:s23] =	dma.local [spmem:s6], $0x8000  }
0xbd: {  	_ =	swait.ge [sflag:s23], $0x8000  }
0xbe: {  	[sflag:s23] =	ssyncset.done $0x0  }
0xbf: {  	s24 =	sor.u32 $0x30000, s13;
	[sflag:s23] =	ssyncadd.s32 $0xFFFF8000  }
0xc0: {  	s20 =	sadd.s32 s24, s4  }
0xc1: {  	[spmem:s6], [sflag:s9] =	dma.local [hbm:s20], $0x8000  }
0xc2: {  	_ =	swait.ge [sflag:s10], $0x8000  }
0xc3: {  	[sflag:s10] =	ssyncset.done $0x0  }
0xc4: {  	[sflag:s10] =	ssyncadd.s32 $0xFFFF8000  }
0xc5: {  	s16 =	sadd.s32 s16, s2;
	s25 =	simm.s32 $0x10  }
0xc6: {  	[hbm:s16], [sflag:s25] =	dma.local [spmem:s7], $0x8000  }
0xc7: {  	_ =	swait.ge [sflag:s25], $0x8000  }
0xc8: {  	[sflag:s25] =	ssyncset.done $0x0  }
0xc9: {  	s13 =	sor.u32 $0x38000, s13;
	[sflag:s25] =	ssyncadd.s32 $0xFFFF8000  }
0xca: {  	s4 =	sadd.s32 s13, s4  }
0xcb: {  	[spmem:s7], [sflag:s10] =	dma.local [hbm:s4], $0x8000  }
0xcc: {  	_ =	swait.ge [sflag:s11], $0x8000  }
0xcd: {  	[sflag:s11] =	ssyncset.done $0x0  }
0xce: {  	[sflag:s11] =	ssyncadd.s32 $0xFFFF8000  }
0xcf: {  	s26 =	sadd.s32 s31, s2  }
0xd0: {  	[hbm:s26], [sflag:s30] =	dma.local [spmem:s3], $0x8000  }
0xd1: {  	_ =	swait.ge [sflag:s8], $0x8000  }
0xd2: {  	[sflag:s8] =	ssyncset.done $0x0  }
0xd3: {  	[sflag:s8] =	ssyncadd.s32 $0xFFFF8000  }
0xd4: {  	s28 =	sadd.s32 s22, s2  }
0xd5: {  	[hbm:s28], [sflag:s21] =	dma.local [spmem:s29], $0x8000  }
0xd6: {  	_ =	swait.ge [sflag:s9], $0x8000  }
0xd7: {  	[sflag:s9] =	ssyncset.done $0x0  }
0xd8: {  	[sflag:s9] =	ssyncadd.s32 $0xFFFF8000  }
0xd9: {  	s29 =	sadd.s32 s24, s2  }
0xda: {  	[hbm:s29], [sflag:s23] =	dma.local [spmem:s6], $0x8000  }
0xdb: {  	_ =	swait.ge [sflag:s10], $0x8000  }
0xdc: {  	[sflag:s10] =	ssyncset.done $0x0  }
0xdd: {  	[sflag:s10] =	ssyncadd.s32 $0xFFFF8000  }
0xde: {  	s2 =	sadd.s32 s13, s2  }
0xdf: {  	[hbm:s2], [sflag:s25] =	dma.local [spmem:s7], $0x8000  }
0xe0: {  	_ =	swait.ge [sflag:s30], $0x8000  }
0xe1: {  	[sflag:s30] =	ssyncset.done $0x0  }
0xe2: {  	[sflag:s30] =	ssyncadd.s32 $0xFFFF8000;
	_ =	sdelay $0x2  }
0xe3: {  	_ =	swait.ge [sflag:s21], $0x8000  }
0xe4: {  	[sflag:s21] =	ssyncset.done $0x0  }
0xe5: {  	[sflag:s21] =	ssyncadd.s32 $0xFFFF8000;
	_ =	sdelay $0x2  }
0xe6: {  	_ =	swait.ge [sflag:s23], $0x8000  }
0xe7: {  	[sflag:s23] =	ssyncset.done $0x0  }
0xe8: {  	[sflag:s23] =	ssyncadd.s32 $0xFFFF8000;
	_ =	sdelay $0x2  }
0xe9: {  	_ =	swait.ge [sflag:s25], $0x8000  }
0xea: {  	[sflag:s25] =	ssyncset.done $0x0  }
0xeb: {  	[sflag:s25] =	ssyncadd.s32 $0xFFFF8000  }
0xec: {  	_ =	strace $0x90000046  }
0xed: {  	_ =	sfence  }
0xee: {  	s30 =	sld [smem:$0x0];
	_ =	sdelay $0x2  }
0xef: {  	s31 =	sshll.u32 s1, $0xD;
	s1 =	sshrl.u32 s1, $0x2  }
0xf0: {  	s3 =	sand.u32 $0x4000, s31;
	s1 =	sadd.s32 s1, s30  }
0xf1: {  	s0 =	sor.u32 s3, s0;
	s1 =	sshll.u32 s1, $0x11  }
0xf2: {  	s0 =	sor.u32 s1, s0  }
0xf3: {  	s0 =	sadd.s32 $0x8F2B, s0;
	(pc) =	sbr.abs _section_cstart, $3  }
0xf4: {  	[sflag:s0] =	ssyncadd.remote.s32 $0x1  }
0xf5: {  	_ =	strace $0x9FFFFFFF  }
0xf6: {  	(tm) =	ssettm $0x7FFFFFFF  }
0xf7: {  	_ =	shalt  }

</sc_bundles>
